<compile_context>
chip_gen: v7x
topology: tpu7x:2x2x1
jax: 0.10.2.dev20260603
libtpu: 0.0.44.dev20260713+nightly
codegen_flags: <defaults>
</compile_context>

<pallas_src>
import dataclasses
import functools

import jax
import jax.numpy as jnp
from jax import lax
from jax.experimental import pallas as pl
from jax.experimental.pallas import tpu as pltpu
from jax.experimental.pallas import tpu_sc as plsc

N = 10000
E = 320000
D = 128

NUM_CORES = 2
NUM_SUBCORES = 16
NUM_WORKERS = NUM_CORES * NUM_SUBCORES
CHUNK = 160
NUM_CHUNKS = 64
EDGES_PER_WORKER = CHUNK * NUM_CHUNKS
E_PAD = EDGES_PER_WORKER * NUM_WORKERS
N_PAD = 10240
ROWS_PER_SUBCORE = N_PAD // NUM_SUBCORES
LANES = 16


def _linear_body(x_ref, wt_ref, b_ref, out_ref):
    out_ref[...] = (
        jnp.dot(x_ref[...], wt_ref[...], preferred_element_type=jnp.float32)
        + b_ref[...]
    )


def _tc_linear(x, wt, b2d):
    return pl.pallas_call(
        _linear_body,
        out_shape=jax.ShapeDtypeStruct((N, D), jnp.float32),
    )(x, wt, b2d)


def _add_tanh_body(p0_ref, p1_ref, out_ref):
    out_ref[...] = jnp.tanh(p0_ref[...] + p1_ref[...])


def _tc_add_tanh(p0, p1):
    blk = 2000
    return pl.pallas_call(
        _add_tanh_body,
        grid=(N // blk,),
        in_specs=[
            pl.BlockSpec((blk, D), lambda i: (i, 0)),
            pl.BlockSpec((blk, D), lambda i: (i, 0)),
        ],
        out_specs=pl.BlockSpec((blk, D), lambda i: (i, 0)),
        out_shape=jax.ShapeDtypeStruct((N, D), jnp.float32),
    )(p0, p1)


def _sc_aggregate(support, src, dst, adj, zeros):
    mesh = plsc.VectorSubcoreMesh(
        core_axis_name="c", subcore_axis_name="s", num_cores=NUM_CORES
    )
    cp = pltpu.CompilerParams()
    if "needs_layout_passes" in pltpu.CompilerParams.__dataclass_fields__:
        cp = dataclasses.replace(cp, needs_layout_passes=False)

    @functools.partial(
        pl.kernel,
        compiler_params=cp,
        out_type=jax.ShapeDtypeStruct((NUM_CORES, N_PAD, D), jnp.float32),
        mesh=mesh,
        scratch_types=[
            pltpu.VMEM_SHARED((N_PAD, D), jnp.float32),
            pltpu.VMEM((CHUNK,), jnp.int32),
            pltpu.VMEM((CHUNK,), jnp.int32),
            pltpu.VMEM((CHUNK,), jnp.float32),
            pltpu.VMEM((CHUNK, D), jnp.float32),
            pltpu.VMEM((CHUNK, D), jnp.float32),
            pltpu.VMEM((CHUNK,), jnp.int32),
            pltpu.SemaphoreType.DMA,
            pltpu.SemaphoreType.DMA,
            pltpu.SemaphoreType.DMA,
        ],
    )
    def agg_kernel(
        support_hbm, src_hbm, dst_hbm, adj_hbm, zeros_hbm, out_hbm,
        acc, src_v, dst_v, adj_v, rows_v, scaled_v, dst_s, sem, isem, ssem,
    ):
        core = lax.axis_index("c")
        sub = lax.axis_index("s")

        row0 = sub * ROWS_PER_SUBCORE
        pltpu.sync_copy(zeros_hbm, acc.at[pl.ds(row0, ROWS_PER_SUBCORE)])

        zf = jnp.zeros((LANES,), jnp.float32)
        zi = jnp.zeros((LANES,), jnp.int32)

        @pl.loop(0, CHUNK)
        def _(r):
            for j in range(D // LANES):
                scaled_v[r, pl.ds(j * LANES, LANES)] = zf

        @pl.loop(0, CHUNK // LANES)
        def _(g):
            dst_s[pl.ds(g * LANES, LANES)] = zi

        plsc.subcore_barrier()
        pltpu.async_copy(scaled_v, acc.at[dst_s], ssem, add=True)

        worker = core * NUM_SUBCORES + sub
        base = worker * EDGES_PER_WORKER

        @pl.loop(0, NUM_CHUNKS)
        def _(c):
            off = base + c * CHUNK
            d0 = pltpu.async_copy(src_hbm.at[pl.ds(off, CHUNK)], src_v, isem)
            d1 = pltpu.async_copy(dst_hbm.at[pl.ds(off, CHUNK)], dst_v, isem)
            d2 = pltpu.async_copy(adj_hbm.at[pl.ds(off, CHUNK)], adj_v, isem)
            d0.wait()
            d1.wait()
            d2.wait()
            pltpu.async_copy(support_hbm.at[src_v], rows_v, sem).wait()

            pltpu.make_async_copy(scaled_v, acc.at[dst_s], ssem).wait()

            @pl.loop(0, CHUNK)
            def _(r):
                splat_idx = lax.broadcast_in_dim(r, (LANES,), ())
                a = plsc.load_gather(adj_v, [splat_idx])
                for j in range(D // LANES):
                    sl = pl.ds(j * LANES, LANES)
                    scaled_v[r, sl] = rows_v[r, sl] * a

            @pl.loop(0, CHUNK // LANES)
            def _(g):
                o = g * LANES
                dst_s[pl.ds(o, LANES)] = dst_v[pl.ds(o, LANES)]

            pltpu.async_copy(scaled_v, acc.at[dst_s], ssem, add=True)

        pltpu.make_async_copy(scaled_v, acc.at[dst_s], ssem).wait()
        plsc.subcore_barrier()
        pltpu.sync_copy(
            acc.at[pl.ds(row0, ROWS_PER_SUBCORE)],
            out_hbm.at[core, pl.ds(row0, ROWS_PER_SUBCORE)],
        )

    return agg_kernel(support, src, dst, adj, zeros)


@jax.jit
def kernel(x, edge_index, adj_values, W, b):
    pad = E_PAD - E
    src = jnp.concatenate(
        [edge_index[1].astype(jnp.int32), jnp.zeros((pad,), jnp.int32)]
    )
    dst = jnp.concatenate(
        [edge_index[0].astype(jnp.int32), jnp.full((pad,), N, jnp.int32)]
    )
    adj = jnp.concatenate([adj_values, jnp.zeros((pad,), jnp.float32)])
    wt = W.T
    b2d = b.reshape(1, D)
    support = _tc_linear(x, wt, b2d)
    zeros = jnp.zeros((ROWS_PER_SUBCORE, D), jnp.float32)
    partials = _sc_aggregate(support, src, dst, adj, zeros)
    return _tc_add_tanh(partials[0, :N], partials[1, :N])

# --- scband reference (transcript-rebuilt; emitter-appended) ---
"""Pipeline reference for scband-graph-convolution-31756988187311 (READ-ONLY COPY).

The authoritative reference and input builder live on the scoring server;
editing this copy changes nothing except your own understanding.
"""

import jax, jax.numpy as jnp
import numpy as np

N = 10000
E = 320000
D_IN = 128
D_OUT = 128


def setup_inputs(seed: int = 0) -> dict:
    key = jax.random.key(seed)
    k1, k2, k3, k4, k5 = jax.random.split(key, 5)
    x = jax.random.normal(k1, (N, D_IN), dtype=jnp.float32)
    edge_index = jax.random.randint(k2, (2, E), 0, N, dtype=jnp.int64)
    adj_values = jax.random.uniform(k3, (E,), dtype=jnp.float32)
    # nn.Linear(in_features, out_features): weight [out, in], bias [out]
    bound = 1.0 / np.sqrt(D_IN)
    W = jax.random.uniform(k4, (D_OUT, D_IN), minval=-bound, maxval=bound, dtype=jnp.float32)
    b = jax.random.uniform(k5, (D_OUT,), minval=-bound, maxval=bound, dtype=jnp.float32)
    return {"x": x, "edge_index": edge_index, "adj_values": adj_values, "W": W, "b": b}


def reference(x, edge_index, adj_values, W, b):
    # support = self.linear(input)
    support = x @ W.T + b
    # output = torch.sparse.mm(adj, support)
    # adj is COO sparse: row = edge_index[0] (dst), col = edge_index[1] (src)
    # output[i] = sum_j adj[i, j] * support[j]
    msgs = jnp.take(support, edge_index[1], axis=0) * adj_values[:, None]
    agg = jax.ops.segment_sum(msgs, edge_index[0], num_segments=N)
    # activation = nn.Tanh()
    return jnp.tanh(agg)

if __name__ == "__main__":
    import jax
    _d = setup_inputs()
    print(jax.jit(kernel)(*tuple(_d.values())))

</pallas_src>

<mosaic_0001>
#map = affine_map<(d0, d1) -> (0, 0)>
#map1 = affine_map<(d0, d1) -> (0)>
#map2 = affine_map<(d0, d1) -> (0, 0, 0)>
module attributes {stable_mosaic.version = 14 : i64} {
  func.func @agg_kernel(%arg0: i32, %arg1: i32, %arg2: memref<10000x128xf32, #tpu.memory_space<hbm>>, %arg3: memref<327680xi32, #tpu.memory_space<hbm>>, %arg4: memref<327680xi32, #tpu.memory_space<hbm>>, %arg5: memref<327680xf32, #tpu.memory_space<hbm>>, %arg6: memref<640x128xf32, #tpu.memory_space<hbm>>, %arg7: memref<2x10240x128xf32, #tpu.memory_space<hbm>>, %arg8: memref<10240x128xf32, #tpu.memory_space<vmem_shared>>, %arg9: memref<160xi32, #tpu.memory_space<vmem>>, %arg10: memref<160xi32, #tpu.memory_space<vmem>>, %arg11: memref<160xf32, #tpu.memory_space<vmem>>, %arg12: memref<160x128xf32, #tpu.memory_space<vmem>>, %arg13: memref<160x128xf32, #tpu.memory_space<vmem>>, %arg14: memref<160xi32, #tpu.memory_space<vmem>>, %arg15: memref<!tpu.dma_semaphore, #tpu.memory_space<semaphore_mem>>, %arg16: memref<!tpu.dma_semaphore, #tpu.memory_space<semaphore_mem>>, %arg17: memref<!tpu.dma_semaphore, #tpu.memory_space<semaphore_mem>>) attributes {dimension_semantics = [#tpu.dimension_semantics<core_parallel>, #tpu.dimension_semantics<subcore_parallel>], iteration_bounds = array<i64: 2, 16>, scalar_prefetch = 0 : i64, scratch_operands = 10 : i64, tpu.core_type = #tpu.core_type<sc_vector_subcore>, window_params = [{transform_indices = #map}, {transform_indices = #map1}, {transform_indices = #map1}, {transform_indices = #map1}, {transform_indices = #map}, {transform_indices = #map2}]} {
    %mul3A = arith.constant 640 : i32
    %mul3A_0 = arith.muli %arg1, %mul3A : i32
    "tpu.region"() ({
      %run_scoped3A = tpu.sem_alloc : memref<!tpu.dma_semaphore, #tpu.memory_space<semaphore_mem>>
      %dma_start3A_27 = arith.constant 0 : i32
      %dma_start3A_28 = tpu.memref_slice %arg8[%mul3A_0, %dma_start3A_27] : memref<10240x128xf32, #tpu.memory_space<vmem_shared>> -> memref<640x128xf32, #tpu.memory_space<vmem_shared>>
      tpu.enqueue_dma source(%arg6 : memref<640x128xf32, #tpu.memory_space<hbm>>) target(%dma_start3A_28 : memref<640x128xf32, #tpu.memory_space<vmem_shared>>) target_semaphore(%run_scoped3A : memref<!tpu.dma_semaphore, #tpu.memory_space<semaphore_mem>>)
      %dma_wait3A_29 = arith.constant 0 : i32
      %dma_wait3A_30 = tpu.memref_slice %arg8[%mul3A_0, %dma_wait3A_29] : memref<10240x128xf32, #tpu.memory_space<vmem_shared>> -> memref<640x128xf32, #tpu.memory_space<vmem_shared>>
      tpu.wait_dma2 semaphore(%run_scoped3A : memref<!tpu.dma_semaphore, #tpu.memory_space<semaphore_mem>>) src(%arg6 : memref<640x128xf32, #tpu.memory_space<hbm>>) dst(%dma_wait3A_30 : memref<640x128xf32, #tpu.memory_space<vmem_shared>>)
      tpu.yield
    }) : () -> ()
    %broadcast_in_dim3A = arith.constant 0.000000e+00 : f32
    %broadcast_in_dim3A_1 = vector.broadcast %broadcast_in_dim3A : f32 to vector<16xf32>
    %broadcast_in_dim3A_2 = arith.constant 0 : i32
    %broadcast_in_dim3A_3 = vector.broadcast %broadcast_in_dim3A_2 : i32 to vector<16xi32>
    %scan3A = arith.constant 0 : i32
    %scan3A_4 = arith.constant 160 : i32
    %scan3A_5 = arith.addi %scan3A, %scan3A_4 : i32
    %scan3A_6 = arith.constant 1 : i32
    scf.for %scan3A_27 = %scan3A to %scan3A_5 step %scan3A_6  : i32 {
      %mul3A_28 = arith.constant 1 : i32
      %mul3A_29 = arith.muli %scan3A_27, %mul3A_28 : i32
      %add3A_30 = arith.constant 0 : i32
      %add3A_31 = arith.addi %add3A_30, %mul3A_29 : i32
      %swap3A = arith.index_cast %add3A_31 : i32 to index
      %swap3A_32 = arith.constant 0 : index
      %swap3A_33 = tpu.vector_load %arg13[%swap3A, %swap3A_32] {strides = array<i32>} : memref<160x128xf32, #tpu.memory_space<vmem>>, vector<16xf32>,
      tpu.vector_store %arg13[%swap3A, %swap3A_32], %broadcast_in_dim3A_1 {strides = array<i32>} : memref<160x128xf32, #tpu.memory_space<vmem>>, vector<16xf32>,
      %swap3A_34 = arith.index_cast %add3A_31 : i32 to index
      %swap3A_35 = arith.constant 16 : index
      %swap3A_36 = tpu.vector_load %arg13[%swap3A_34, %swap3A_35] {strides = array<i32>} : memref<160x128xf32, #tpu.memory_space<vmem>>, vector<16xf32>,
      tpu.vector_store %arg13[%swap3A_34, %swap3A_35], %broadcast_in_dim3A_1 {strides = array<i32>} : memref<160x128xf32, #tpu.memory_space<vmem>>, vector<16xf32>,
      %swap3A_37 = arith.index_cast %add3A_31 : i32 to index
      %swap3A_38 = arith.constant 32 : index
      %swap3A_39 = tpu.vector_load %arg13[%swap3A_37, %swap3A_38] {strides = array<i32>} : memref<160x128xf32, #tpu.memory_space<vmem>>, vector<16xf32>,
      tpu.vector_store %arg13[%swap3A_37, %swap3A_38], %broadcast_in_dim3A_1 {strides = array<i32>} : memref<160x128xf32, #tpu.memory_space<vmem>>, vector<16xf32>,
      %swap3A_40 = arith.index_cast %add3A_31 : i32 to index
      %swap3A_41 = arith.constant 48 : index
      %swap3A_42 = tpu.vector_load %arg13[%swap3A_40, %swap3A_41] {strides = array<i32>} : memref<160x128xf32, #tpu.memory_space<vmem>>, vector<16xf32>,
      tpu.vector_store %arg13[%swap3A_40, %swap3A_41], %broadcast_in_dim3A_1 {strides = array<i32>} : memref<160x128xf32, #tpu.memory_space<vmem>>, vector<16xf32>,
      %swap3A_43 = arith.index_cast %add3A_31 : i32 to index
      %swap3A_44 = arith.constant 64 : index
      %swap3A_45 = tpu.vector_load %arg13[%swap3A_43, %swap3A_44] {strides = array<i32>} : memref<160x128xf32, #tpu.memory_space<vmem>>, vector<16xf32>,
      tpu.vector_store %arg13[%swap3A_43, %swap3A_44], %broadcast_in_dim3A_1 {strides = array<i32>} : memref<160x128xf32, #tpu.memory_space<vmem>>, vector<16xf32>,
      %swap3A_46 = arith.index_cast %add3A_31 : i32 to index
      %swap3A_47 = arith.constant 80 : index
      %swap3A_48 = tpu.vector_load %arg13[%swap3A_46, %swap3A_47] {strides = array<i32>} : memref<160x128xf32, #tpu.memory_space<vmem>>, vector<16xf32>,
      tpu.vector_store %arg13[%swap3A_46, %swap3A_47], %broadcast_in_dim3A_1 {strides = array<i32>} : memref<160x128xf32, #tpu.memory_space<vmem>>, vector<16xf32>,
      %swap3A_49 = arith.index_cast %add3A_31 : i32 to index
      %swap3A_50 = arith.constant 96 : index
      %swap3A_51 = tpu.vector_load %arg13[%swap3A_49, %swap3A_50] {strides = array<i32>} : memref<160x128xf32, #tpu.memory_space<vmem>>, vector<16xf32>,
      tpu.vector_store %arg13[%swap3A_49, %swap3A_50], %broadcast_in_dim3A_1 {strides = array<i32>} : memref<160x128xf32, #tpu.memory_space<vmem>>, vector<16xf32>,
      %swap3A_52 = arith.index_cast %add3A_31 : i32 to index
      %swap3A_53 = arith.constant 112 : index
      %swap3A_54 = tpu.vector_load %arg13[%swap3A_52, %swap3A_53] {strides = array<i32>} : memref<160x128xf32, #tpu.memory_space<vmem>>, vector<16xf32>,
      tpu.vector_store %arg13[%swap3A_52, %swap3A_53], %broadcast_in_dim3A_1 {strides = array<i32>} : memref<160x128xf32, #tpu.memory_space<vmem>>, vector<16xf32>,
    }
    %scan3A_7 = arith.constant 160 : i32
    %scan3A_8 = arith.constant 0 : i32
    %scan3A_9 = arith.constant 10 : i32
    %scan3A_10 = arith.addi %scan3A_8, %scan3A_9 : i32
    %scan3A_11 = arith.constant 1 : i32
    scf.for %scan3A_27 = %scan3A_8 to %scan3A_10 step %scan3A_11  : i32 {
      %mul3A_28 = arith.constant 1 : i32
      %mul3A_29 = arith.muli %scan3A_27, %mul3A_28 : i32
      %add3A_30 = arith.constant 0 : i32
      %add3A_31 = arith.addi %add3A_30, %mul3A_29 : i32
      %mul3A_32 = arith.constant 16 : i32
      %mul3A_33 = arith.muli %add3A_31, %mul3A_32 : i32
      %swap3A = arith.index_cast %mul3A_33 : i32 to index
      %swap3A_34 = tpu.vector_load %arg14[%swap3A] {strides = array<i32>} : memref<160xi32, #tpu.memory_space<vmem>>, vector<16xi32>,
      tpu.vector_store %arg14[%swap3A], %broadcast_in_dim3A_3 {strides = array<i32>} : memref<160xi32, #tpu.memory_space<vmem>>, vector<16xi32>,
    }
    %scan3A_12 = arith.constant 10 : i32
    %barrier3A = arith.constant 0 : index
    tpu.barrier barrier_id(%barrier3A)
    %dma_start3A = arith.constant 0 : i32
    %dma_start3A_13 = arith.constant 0 : i32
    %dma_start3A_14 = tpu.memref_slice %arg8[%dma_start3A, %dma_start3A_13] : memref<10240x128xf32, #tpu.memory_space<vmem_shared>> -> memref<10240x128xf32, #tpu.memory_space<vmem_shared>>
    tpu.enqueue_indirect_dma source(%arg13 : memref<160x128xf32, #tpu.memory_space<vmem>>) target(%dma_start3A_14 : memref<10240x128xf32, #tpu.memory_space<vmem_shared>>) offsets(%arg14 : memref<160xi32, #tpu.memory_space<vmem>>) semaphore(%arg17 : memref<!tpu.dma_semaphore, #tpu.memory_space<semaphore_mem>>) {add = true}
    %mul3A_15 = arith.constant 16 : i32
    %mul3A_16 = arith.muli %arg0, %mul3A_15 : i32
    %add3A = arith.addi %mul3A_16, %arg1 : i32
    %mul3A_17 = arith.constant 10240 : i32
    %mul3A_18 = arith.muli %add3A, %mul3A_17 : i32
    %scan3A_19 = arith.constant 0 : i32
    %scan3A_20 = arith.constant 64 : i32
    %scan3A_21 = arith.addi %scan3A_19, %scan3A_20 : i32
    %scan3A_22 = arith.constant 1 : i32
    scf.for %scan3A_27 = %scan3A_19 to %scan3A_21 step %scan3A_22  : i32 {
      %mul3A_28 = arith.constant 1 : i32
      %mul3A_29 = arith.muli %scan3A_27, %mul3A_28 : i32
      %add3A_30 = arith.constant 0 : i32
      %add3A_31 = arith.addi %add3A_30, %mul3A_29 : i32
      %mul3A_32 = arith.constant 160 : i32
      %mul3A_33 = arith.muli %add3A_31, %mul3A_32 : i32
      %add3A_34 = arith.addi %mul3A_18, %mul3A_33 : i32
      %dma_start3A_35 = tpu.memref_slice %arg3[%add3A_34] : memref<327680xi32, #tpu.memory_space<hbm>> -> memref<160xi32, #tpu.memory_space<hbm>>
      %dma_start3A_36 = tpu.memref_slice %arg3[%add3A_34] : memref<327680xi32, #tpu.memory_space<hbm>> -> memref<160xi32, #tpu.memory_space<hbm>>
      tpu.enqueue_dma source(%dma_start3A_36 : memref<160xi32, #tpu.memory_space<hbm>>) target(%arg9 : memref<160xi32, #tpu.memory_space<vmem>>) target_semaphore(%arg16 : memref<!tpu.dma_semaphore, #tpu.memory_space<semaphore_mem>>)
      %dma_start3A_37 = tpu.memref_slice %arg4[%add3A_34] : memref<327680xi32, #tpu.memory_space<hbm>> -> memref<160xi32, #tpu.memory_space<hbm>>
      %dma_start3A_38 = tpu.memref_slice %arg4[%add3A_34] : memref<327680xi32, #tpu.memory_space<hbm>> -> memref<160xi32, #tpu.memory_space<hbm>>
      tpu.enqueue_dma source(%dma_start3A_38 : memref<160xi32, #tpu.memory_space<hbm>>) target(%arg10 : memref<160xi32, #tpu.memory_space<vmem>>) target_semaphore(%arg16 : memref<!tpu.dma_semaphore, #tpu.memory_space<semaphore_mem>>)
      %dma_start3A_39 = tpu.memref_slice %arg5[%add3A_34] : memref<327680xf32, #tpu.memory_space<hbm>> -> memref<160xf32, #tpu.memory_space<hbm>>
      %dma_start3A_40 = tpu.memref_slice %arg5[%add3A_34] : memref<327680xf32, #tpu.memory_space<hbm>> -> memref<160xf32, #tpu.memory_space<hbm>>
      tpu.enqueue_dma source(%dma_start3A_40 : memref<160xf32, #tpu.memory_space<hbm>>) target(%arg11 : memref<160xf32, #tpu.memory_space<vmem>>) target_semaphore(%arg16 : memref<!tpu.dma_semaphore, #tpu.memory_space<semaphore_mem>>)
      %dma_wait3A_41 = tpu.memref_slice %arg3[%add3A_34] : memref<327680xi32, #tpu.memory_space<hbm>> -> memref<160xi32, #tpu.memory_space<hbm>>
      %dma_wait3A_42 = tpu.memref_slice %arg3[%add3A_34] : memref<327680xi32, #tpu.memory_space<hbm>> -> memref<160xi32, #tpu.memory_space<hbm>>
      tpu.wait_dma2 semaphore(%arg16 : memref<!tpu.dma_semaphore, #tpu.memory_space<semaphore_mem>>) src(%dma_wait3A_42 : memref<160xi32, #tpu.memory_space<hbm>>) dst(%arg9 : memref<160xi32, #tpu.memory_space<vmem>>)
      %dma_wait3A_43 = tpu.memref_slice %arg4[%add3A_34] : memref<327680xi32, #tpu.memory_space<hbm>> -> memref<160xi32, #tpu.memory_space<hbm>>
      %dma_wait3A_44 = tpu.memref_slice %arg4[%add3A_34] : memref<327680xi32, #tpu.memory_space<hbm>> -> memref<160xi32, #tpu.memory_space<hbm>>
      tpu.wait_dma2 semaphore(%arg16 : memref<!tpu.dma_semaphore, #tpu.memory_space<semaphore_mem>>) src(%dma_wait3A_44 : memref<160xi32, #tpu.memory_space<hbm>>) dst(%arg10 : memref<160xi32, #tpu.memory_space<vmem>>)
      %dma_wait3A_45 = tpu.memref_slice %arg5[%add3A_34] : memref<327680xf32, #tpu.memory_space<hbm>> -> memref<160xf32, #tpu.memory_space<hbm>>
      %dma_wait3A_46 = tpu.memref_slice %arg5[%add3A_34] : memref<327680xf32, #tpu.memory_space<hbm>> -> memref<160xf32, #tpu.memory_space<hbm>>
      tpu.wait_dma2 semaphore(%arg16 : memref<!tpu.dma_semaphore, #tpu.memory_space<semaphore_mem>>) src(%dma_wait3A_46 : memref<160xf32, #tpu.memory_space<hbm>>) dst(%arg11 : memref<160xf32, #tpu.memory_space<vmem>>)
      %dma_start3A_47 = arith.constant 0 : i32
      %dma_start3A_48 = arith.constant 0 : i32
      %dma_start3A_49 = tpu.memref_slice %arg2[%dma_start3A_47, %dma_start3A_48] : memref<10000x128xf32, #tpu.memory_space<hbm>> -> memref<10000x128xf32, #tpu.memory_space<hbm>>
      tpu.enqueue_indirect_dma source(%dma_start3A_49 : memref<10000x128xf32, #tpu.memory_space<hbm>>) target(%arg12 : memref<160x128xf32, #tpu.memory_space<vmem>>) offsets(%arg9 : memref<160xi32, #tpu.memory_space<vmem>>) semaphore(%arg15 : memref<!tpu.dma_semaphore, #tpu.memory_space<semaphore_mem>>)
      %dma_wait3A_50 = arith.constant 0 : i32
      %dma_wait3A_51 = arith.constant 0 : i32
      %dma_wait3A_52 = tpu.memref_slice %arg2[%dma_wait3A_50, %dma_wait3A_51] : memref<10000x128xf32, #tpu.memory_space<hbm>> -> memref<10000x128xf32, #tpu.memory_space<hbm>>
      tpu.wait_indirect_dma semaphore(%arg15 : memref<!tpu.dma_semaphore, #tpu.memory_space<semaphore_mem>>) src(%dma_wait3A_52 : memref<10000x128xf32, #tpu.memory_space<hbm>>) dst(%arg12 : memref<160x128xf32, #tpu.memory_space<vmem>>)
      %dma_wait3A_53 = arith.constant 0 : i32
      %dma_wait3A_54 = arith.constant 0 : i32
      %dma_wait3A_55 = tpu.memref_slice %arg8[%dma_wait3A_53, %dma_wait3A_54] : memref<10240x128xf32, #tpu.memory_space<vmem_shared>> -> memref<10240x128xf32, #tpu.memory_space<vmem_shared>>
      tpu.wait_indirect_dma semaphore(%arg17 : memref<!tpu.dma_semaphore, #tpu.memory_space<semaphore_mem>>) src(%arg13 : memref<160x128xf32, #tpu.memory_space<vmem>>) dst(%dma_wait3A_55 : memref<10240x128xf32, #tpu.memory_space<vmem_shared>>)
      %scan3A_56 = arith.constant 0 : i32
      %scan3A_57 = arith.constant 160 : i32
      %scan3A_58 = arith.addi %scan3A_56, %scan3A_57 : i32
      %scan3A_59 = arith.constant 1 : i32
      scf.for %scan3A_69 = %scan3A_56 to %scan3A_58 step %scan3A_59  : i32 {
        %mul3A_70 = arith.constant 1 : i32
        %mul3A_71 = arith.muli %scan3A_69, %mul3A_70 : i32
        %add3A_72 = arith.constant 0 : i32
        %add3A_73 = arith.addi %add3A_72, %mul3A_71 : i32
        %broadcast_in_dim3A_74 = vector.broadcast %add3A_73 : i32 to vector<16xi32>
        %gather3A = tpu.vector_load_idx %arg11[%broadcast_in_dim3A_74] : memref<160xf32, #tpu.memory_space<vmem>>[vector<16xi32>], vector<16xf32>,
        %get3A = arith.index_cast %add3A_73 : i32 to index
        %get3A_75 = arith.constant 0 : index
        %get3A_76 = tpu.vector_load %arg12[%get3A, %get3A_75] {strides = array<i32>} : memref<160x128xf32, #tpu.memory_space<vmem>>, vector<16xf32>,
        %mul3A_77 = arith.mulf %get3A_76, %gather3A : vector<16xf32>
        %swap3A = arith.index_cast %add3A_73 : i32 to index
        %swap3A_78 = arith.constant 0 : index
        %swap3A_79 = tpu.vector_load %arg13[%swap3A, %swap3A_78] {strides = array<i32>} : memref<160x128xf32, #tpu.memory_space<vmem>>, vector<16xf32>,
        tpu.vector_store %arg13[%swap3A, %swap3A_78], %mul3A_77 {strides = array<i32>} : memref<160x128xf32, #tpu.memory_space<vmem>>, vector<16xf32>,
        %get3A_80 = arith.index_cast %add3A_73 : i32 to index
        %get3A_81 = arith.constant 16 : index
        %get3A_82 = tpu.vector_load %arg12[%get3A_80, %get3A_81] {strides = array<i32>} : memref<160x128xf32, #tpu.memory_space<vmem>>, vector<16xf32>,
        %mul3A_83 = arith.mulf %get3A_82, %gather3A : vector<16xf32>
        %swap3A_84 = arith.index_cast %add3A_73 : i32 to index
        %swap3A_85 = arith.constant 16 : index
        %swap3A_86 = tpu.vector_load %arg13[%swap3A_84, %swap3A_85] {strides = array<i32>} : memref<160x128xf32, #tpu.memory_space<vmem>>, vector<16xf32>,
        tpu.vector_store %arg13[%swap3A_84, %swap3A_85], %mul3A_83 {strides = array<i32>} : memref<160x128xf32, #tpu.memory_space<vmem>>, vector<16xf32>,
        %get3A_87 = arith.index_cast %add3A_73 : i32 to index
        %get3A_88 = arith.constant 32 : index
        %get3A_89 = tpu.vector_load %arg12[%get3A_87, %get3A_88] {strides = array<i32>} : memref<160x128xf32, #tpu.memory_space<vmem>>, vector<16xf32>,
        %mul3A_90 = arith.mulf %get3A_89, %gather3A : vector<16xf32>
        %swap3A_91 = arith.index_cast %add3A_73 : i32 to index
        %swap3A_92 = arith.constant 32 : index
        %swap3A_93 = tpu.vector_load %arg13[%swap3A_91, %swap3A_92] {strides = array<i32>} : memref<160x128xf32, #tpu.memory_space<vmem>>, vector<16xf32>,
        tpu.vector_store %arg13[%swap3A_91, %swap3A_92], %mul3A_90 {strides = array<i32>} : memref<160x128xf32, #tpu.memory_space<vmem>>, vector<16xf32>,
        %get3A_94 = arith.index_cast %add3A_73 : i32 to index
        %get3A_95 = arith.constant 48 : index
        %get3A_96 = tpu.vector_load %arg12[%get3A_94, %get3A_95] {strides = array<i32>} : memref<160x128xf32, #tpu.memory_space<vmem>>, vector<16xf32>,
        %mul3A_97 = arith.mulf %get3A_96, %gather3A : vector<16xf32>
        %swap3A_98 = arith.index_cast %add3A_73 : i32 to index
        %swap3A_99 = arith.constant 48 : index
        %swap3A_100 = tpu.vector_load %arg13[%swap3A_98, %swap3A_99] {strides = array<i32>} : memref<160x128xf32, #tpu.memory_space<vmem>>, vector<16xf32>,
        tpu.vector_store %arg13[%swap3A_98, %swap3A_99], %mul3A_97 {strides = array<i32>} : memref<160x128xf32, #tpu.memory_space<vmem>>, vector<16xf32>,
        %get3A_101 = arith.index_cast %add3A_73 : i32 to index
        %get3A_102 = arith.constant 64 : index
        %get3A_103 = tpu.vector_load %arg12[%get3A_101, %get3A_102] {strides = array<i32>} : memref<160x128xf32, #tpu.memory_space<vmem>>, vector<16xf32>,
        %mul3A_104 = arith.mulf %get3A_103, %gather3A : vector<16xf32>
        %swap3A_105 = arith.index_cast %add3A_73 : i32 to index
        %swap3A_106 = arith.constant 64 : index
        %swap3A_107 = tpu.vector_load %arg13[%swap3A_105, %swap3A_106] {strides = array<i32>} : memref<160x128xf32, #tpu.memory_space<vmem>>, vector<16xf32>,
        tpu.vector_store %arg13[%swap3A_105, %swap3A_106], %mul3A_104 {strides = array<i32>} : memref<160x128xf32, #tpu.memory_space<vmem>>, vector<16xf32>,
        %get3A_108 = arith.index_cast %add3A_73 : i32 to index
        %get3A_109 = arith.constant 80 : index
        %get3A_110 = tpu.vector_load %arg12[%get3A_108, %get3A_109] {strides = array<i32>} : memref<160x128xf32, #tpu.memory_space<vmem>>, vector<16xf32>,
        %mul3A_111 = arith.mulf %get3A_110, %gather3A : vector<16xf32>
        %swap3A_112 = arith.index_cast %add3A_73 : i32 to index
        %swap3A_113 = arith.constant 80 : index
        %swap3A_114 = tpu.vector_load %arg13[%swap3A_112, %swap3A_113] {strides = array<i32>} : memref<160x128xf32, #tpu.memory_space<vmem>>, vector<16xf32>,
        tpu.vector_store %arg13[%swap3A_112, %swap3A_113], %mul3A_111 {strides = array<i32>} : memref<160x128xf32, #tpu.memory_space<vmem>>, vector<16xf32>,
        %get3A_115 = arith.index_cast %add3A_73 : i32 to index
        %get3A_116 = arith.constant 96 : index
        %get3A_117 = tpu.vector_load %arg12[%get3A_115, %get3A_116] {strides = array<i32>} : memref<160x128xf32, #tpu.memory_space<vmem>>, vector<16xf32>,
        %mul3A_118 = arith.mulf %get3A_117, %gather3A : vector<16xf32>
        %swap3A_119 = arith.index_cast %add3A_73 : i32 to index
        %swap3A_120 = arith.constant 96 : index
        %swap3A_121 = tpu.vector_load %arg13[%swap3A_119, %swap3A_120] {strides = array<i32>} : memref<160x128xf32, #tpu.memory_space<vmem>>, vector<16xf32>,
        tpu.vector_store %arg13[%swap3A_119, %swap3A_120], %mul3A_118 {strides = array<i32>} : memref<160x128xf32, #tpu.memory_space<vmem>>, vector<16xf32>,
        %get3A_122 = arith.index_cast %add3A_73 : i32 to index
        %get3A_123 = arith.constant 112 : index
        %get3A_124 = tpu.vector_load %arg12[%get3A_122, %get3A_123] {strides = array<i32>} : memref<160x128xf32, #tpu.memory_space<vmem>>, vector<16xf32>,
        %mul3A_125 = arith.mulf %get3A_124, %gather3A : vector<16xf32>
        %swap3A_126 = arith.index_cast %add3A_73 : i32 to index
        %swap3A_127 = arith.constant 112 : index
        %swap3A_128 = tpu.vector_load %arg13[%swap3A_126, %swap3A_127] {strides = array<i32>} : memref<160x128xf32, #tpu.memory_space<vmem>>, vector<16xf32>,
        tpu.vector_store %arg13[%swap3A_126, %swap3A_127], %mul3A_125 {strides = array<i32>} : memref<160x128xf32, #tpu.memory_space<vmem>>, vector<16xf32>,
      }
      %scan3A_60 = arith.constant 160 : i32
      %scan3A_61 = arith.constant 0 : i32
      %scan3A_62 = arith.constant 10 : i32
      %scan3A_63 = arith.addi %scan3A_61, %scan3A_62 : i32
      %scan3A_64 = arith.constant 1 : i32
      scf.for %scan3A_69 = %scan3A_61 to %scan3A_63 step %scan3A_64  : i32 {
        %mul3A_70 = arith.constant 1 : i32
        %mul3A_71 = arith.muli %scan3A_69, %mul3A_70 : i32
        %add3A_72 = arith.constant 0 : i32
        %add3A_73 = arith.addi %add3A_72, %mul3A_71 : i32
        %mul3A_74 = arith.constant 16 : i32
        %mul3A_75 = arith.muli %add3A_73, %mul3A_74 : i32
        %get3A = arith.index_cast %mul3A_75 : i32 to index
        %get3A_76 = tpu.vector_load %arg10[%get3A] {strides = array<i32>} : memref<160xi32, #tpu.memory_space<vmem>>, vector<16xi32>,
        %swap3A = arith.index_cast %mul3A_75 : i32 to index
        %swap3A_77 = tpu.vector_load %arg14[%swap3A] {strides = array<i32>} : memref<160xi32, #tpu.memory_space<vmem>>, vector<16xi32>,
        tpu.vector_store %arg14[%swap3A], %get3A_76 {strides = array<i32>} : memref<160xi32, #tpu.memory_space<vmem>>, vector<16xi32>,
      }
      %scan3A_65 = arith.constant 10 : i32
      %dma_start3A_66 = arith.constant 0 : i32
      %dma_start3A_67 = arith.constant 0 : i32
      %dma_start3A_68 = tpu.memref_slice %arg8[%dma_start3A_66, %dma_start3A_67] : memref<10240x128xf32, #tpu.memory_space<vmem_shared>> -> memref<10240x128xf32, #tpu.memory_space<vmem_shared>>
      tpu.enqueue_indirect_dma source(%arg13 : memref<160x128xf32, #tpu.memory_space<vmem>>) target(%dma_start3A_68 : memref<10240x128xf32, #tpu.memory_space<vmem_shared>>) offsets(%arg14 : memref<160xi32, #tpu.memory_space<vmem>>) semaphore(%arg17 : memref<!tpu.dma_semaphore, #tpu.memory_space<semaphore_mem>>) {add = true}
    }
    %scan3A_23 = arith.constant 64 : i32
    %dma_wait3A = arith.constant 0 : i32
    %dma_wait3A_24 = arith.constant 0 : i32
    %dma_wait3A_25 = tpu.memref_slice %arg8[%dma_wait3A, %dma_wait3A_24] : memref<10240x128xf32, #tpu.memory_space<vmem_shared>> -> memref<10240x128xf32, #tpu.memory_space<vmem_shared>>
    tpu.wait_indirect_dma semaphore(%arg17 : memref<!tpu.dma_semaphore, #tpu.memory_space<semaphore_mem>>) src(%arg13 : memref<160x128xf32, #tpu.memory_space<vmem>>) dst(%dma_wait3A_25 : memref<10240x128xf32, #tpu.memory_space<vmem_shared>>)
    %barrier3A_26 = arith.constant 0 : index
    tpu.barrier barrier_id(%barrier3A_26)
    "tpu.region"() ({
      %run_scoped3A = tpu.sem_alloc : memref<!tpu.dma_semaphore, #tpu.memory_space<semaphore_mem>>
      %dma_start3A_27 = arith.constant 0 : i32
      %dma_start3A_28 = tpu.memref_slice %arg7[%arg0, %mul3A_0, %dma_start3A_27] : memref<2x10240x128xf32, #tpu.memory_space<hbm>> -> memref<1x640x128xf32, #tpu.memory_space<hbm>>
      %dma_start3A_29 = tpu.memref_squeeze %dma_start3A_28 : memref<1x640x128xf32, #tpu.memory_space<hbm>> -> memref<640x128xf32, #tpu.memory_space<hbm>>
      %dma_start3A_30 = arith.constant 0 : i32
      %dma_start3A_31 = tpu.memref_slice %arg8[%mul3A_0, %dma_start3A_30] : memref<10240x128xf32, #tpu.memory_space<vmem_shared>> -> memref<640x128xf32, #tpu.memory_space<vmem_shared>>
      tpu.enqueue_dma source(%dma_start3A_31 : memref<640x128xf32, #tpu.memory_space<vmem_shared>>) target(%dma_start3A_29 : memref<640x128xf32, #tpu.memory_space<hbm>>) target_semaphore(%run_scoped3A : memref<!tpu.dma_semaphore, #tpu.memory_space<semaphore_mem>>)
      %dma_wait3A_32 = arith.constant 0 : i32
      %dma_wait3A_33 = tpu.memref_slice %arg7[%arg0, %mul3A_0, %dma_wait3A_32] : memref<2x10240x128xf32, #tpu.memory_space<hbm>> -> memref<1x640x128xf32, #tpu.memory_space<hbm>>
      %dma_wait3A_34 = tpu.memref_squeeze %dma_wait3A_33 : memref<1x640x128xf32, #tpu.memory_space<hbm>> -> memref<640x128xf32, #tpu.memory_space<hbm>>
      %dma_wait3A_35 = arith.constant 0 : i32
      %dma_wait3A_36 = tpu.memref_slice %arg8[%mul3A_0, %dma_wait3A_35] : memref<10240x128xf32, #tpu.memory_space<vmem_shared>> -> memref<640x128xf32, #tpu.memory_space<vmem_shared>>
      tpu.wait_dma2 semaphore(%run_scoped3A : memref<!tpu.dma_semaphore, #tpu.memory_space<semaphore_mem>>) src(%dma_wait3A_36 : memref<640x128xf32, #tpu.memory_space<vmem_shared>>) dst(%dma_wait3A_34 : memref<640x128xf32, #tpu.memory_space<hbm>>)
      tpu.yield
    }) : () -> ()
    return
  }
}

module attributes {stable_mosaic.version = 14 : i64} {
  func.func @_linear_body(%arg0: memref<10000x128xf32, #tpu.memory_space<vmem>>, %arg1: memref<128x128xf32, #tpu.memory_space<vmem>>, %arg2: memref<1x128xf32, #tpu.memory_space<vmem>>, %arg3: memref<10000x128xf32, #tpu.memory_space<vmem>>) attributes {dimension_semantics = [], scalar_prefetch = 0 : i64, scratch_operands = 0 : i64, tpu.core_type = #tpu.core_type<tc>} {
    %get3A = arith.constant 0 : index
    %get3A_0 = arith.constant 0 : index
    %get3A_1 = vector.load %arg0[%get3A, %get3A_0] : memref<10000x128xf32, #tpu.memory_space<vmem>>, vector<10000x128xf32>
    %get3A_2 = arith.constant 0 : index
    %get3A_3 = arith.constant 0 : index
    %get3A_4 = vector.load %arg1[%get3A_2, %get3A_3] : memref<128x128xf32, #tpu.memory_space<vmem>>, vector<128x128xf32>
    %dot_general3A = arith.constant dense<0.000000e+00> : vector<10000x128xf32>
    %dot_general3A_5 = tpu.matmul %get3A_1, %get3A_4, %dot_general3A {dimension_numbers = #tpu.dot_dimension_numbers<[1], [0], [0], [1], [0, 0, 1, 1], [], []>, transpose_lhs_hint = false} : vector<10000x128xf32>, vector<128x128xf32>, vector<10000x128xf32> -> vector<10000x128xf32>
    %get3A_6 = arith.constant 0 : index
    %get3A_7 = arith.constant 0 : index
    %get3A_8 = vector.load %arg2[%get3A_6, %get3A_7] : memref<1x128xf32, #tpu.memory_space<vmem>>, vector<1x128xf32>
    %add3A = vector.broadcast %get3A_8 : vector<1x128xf32> to vector<10000x128xf32>
    %add3A_9 = arith.addf %dot_general3A_5, %add3A : vector<10000x128xf32>
    %swap3A = arith.constant 0 : index
    %swap3A_10 = arith.constant 0 : index
    %swap3A_11 = vector.load %arg3[%swap3A, %swap3A_10] : memref<10000x128xf32, #tpu.memory_space<vmem>>, vector<10000x128xf32>
    tpu.vector_store %arg3[%swap3A, %swap3A_10], %add3A_9 {strides = array<i32>} : memref<10000x128xf32, #tpu.memory_space<vmem>>, vector<10000x128xf32>,
    return
  }
}

module attributes {stable_mosaic.version = 14 : i64} {
  func.func @_add_tanh_body(%arg0: i32, %arg1: memref<2000x128xf32, #tpu.memory_space<vmem>>, %arg2: memref<2000x128xf32, #tpu.memory_space<vmem>>, %arg3: memref<2000x128xf32, #tpu.memory_space<vmem>>) attributes {dimension_semantics = [#tpu.dimension_semantics<arbitrary>], iteration_bounds = array<i64: 5>, scalar_prefetch = 0 : i64, scratch_operands = 0 : i64, tpu.core_type = #tpu.core_type<tc>, window_params = [{transform_indices = @transform_0, window_bounds = array<i64: 2000, 128>}, {transform_indices = @transform_1, window_bounds = array<i64: 2000, 128>}, {transform_indices = @transform_2, window_bounds = array<i64: 2000, 128>}]} {
    %get3A = arith.constant 0 : index
    %get3A_0 = arith.constant 0 : index
    %get3A_1 = vector.load %arg1[%get3A, %get3A_0] : memref<2000x128xf32, #tpu.memory_space<vmem>>, vector<2000x128xf32>
    %get3A_2 = arith.constant 0 : index
    %get3A_3 = arith.constant 0 : index
    %get3A_4 = vector.load %arg2[%get3A_2, %get3A_3] : memref<2000x128xf32, #tpu.memory_space<vmem>>, vector<2000x128xf32>
    %add3A = arith.addf %get3A_1, %get3A_4 : vector<2000x128xf32>
    %tanh3A = math.tanh %add3A : vector<2000x128xf32>
    %swap3A = arith.constant 0 : index
    %swap3A_5 = arith.constant 0 : index
    %swap3A_6 = vector.load %arg3[%swap3A, %swap3A_5] : memref<2000x128xf32, #tpu.memory_space<vmem>>, vector<2000x128xf32>
    tpu.vector_store %arg3[%swap3A, %swap3A_5], %tanh3A {strides = array<i32>} : memref<2000x128xf32, #tpu.memory_space<vmem>>, vector<2000x128xf32>,
    return
  }
  func.func @transform_0(%arg0: i32) -> (i32, i32) {
    %c0_i32 = arith.constant 0 : i32
    %c0_i32_0 = arith.constant 0 : i32
    return %arg0, %c0_i32 : i32, i32
  }
  func.func @transform_1(%arg0: i32) -> (i32, i32) {
    %c0_i32 = arith.constant 0 : i32
    %c0_i32_0 = arith.constant 0 : i32
    return %arg0, %c0_i32 : i32, i32
  }
  func.func @transform_2(%arg0: i32) -> (i32, i32) {
    %c0_i32 = arith.constant 0 : i32
    %c0_i32_0 = arith.constant 0 : i32
    return %arg0, %c0_i32 : i32, i32
  }
}

</mosaic_0001>

<sc_bundles>
// kernel: kernel.5.cloned.1.call-start
scs
__scs_entry_jumppad:
0x0: {  	(pc) =	sbr.rel $0x88, $3  }
0x1: {  	(tag) =	ssettag $0x0;
	lr =	simm.s32 $0x1  }
0x2: {  	[smem:$0x3F9C] =	sst lr;
	_ =	strace $0xD0000000  }
0x3: {  	_ = 	snop  }
0x4: {  	_ = 	snop  }
0x5: {  	_ = 	snop  }
0x6: {  	_ = 	snop  }
0x7: {  	_ = 	snop  }
__scs_overlays_trampoline_lowered:
0x8: {  	[smem:$0x3FAB] =	sst s0  }
0x9: {  	[smem:$0x3FAC] =	sst s1  }
0xa: {  	[smem:$0x3FAD] =	sst s2  }
0xb: {  	[smem:$0x3FAE] =	sst s3  }
0xc: {  	[smem:$0x3FAF] =	sst s4  }
0xd: {  	[smem:$0x3FB0] =	sst s5  }
0xe: {  	[smem:$0x3FB1] =	sst s6  }
0xf: {  	[smem:$0x3FB2] =	sst s7  }
0x10: {  	[smem:$0x3FB3] =	sst s8  }
0x11: {  	[smem:$0x3FB4] =	sst s9;
	s0 =	simm.s32 @!p0 $0x0  }
0x12: {  	s1 =	sld [smem:$0x3F9A];
	s0 =	simm.s32 @p0 $0x1  }
0x13: {  	[smem:$0x3FB5] =	sst s0;
	s0 =	simm.s32 @!p1 $0x0  }
0x14: {  	s2 =	sld [smem:$0x3F99];
	s0 =	simm.s32 @p1 $0x1  }
0x15: {  	[smem:$0x3FB6] =	sst s0;
	s0 =	simm.s32 @!p2 $0x0  }
0x16: {  	s3 =	sld [smem:$0x3FDB];
	s0 =	simm.s32 @p2 $0x1  }
0x17: {  	s4 =	simm.s32 $0x1BF5;
	[smem:$0x3FB8] =	sst s0  }
0x18: {  	s0 =	sld [smem:$0x3F9B];
	_ =	swait.ge [sflag:s4], $0x0  }
0x19: {  	s7 =	sld [smem:$0x3F9C]  }
0x1a: {  	s8 =	sadd.s32 $0xFFFFE003, lr  }
0x1b: {  	s9 =	sadd.s32 $0xFFFFFEF7, lr;
	s5 =	simm.s32 $0xFFFFFFFF;
	p2 =	slt.u32 s8, $0xFFFFF086  }
0x1c: {  	p1 =	slt.u32 s9, $0xF7A;
	s5 =	simm.s32 @!p2 $0x0  }
0x1d: {  	s5 =	simm.s32 @p1 $0x1;
	p0 =	seq.s32 s7, s2  }
0x1e: {  	s7 =	smul.u32 @!p0 $0xF7A, s2;
	p2 =	seq.s32 @!p0 s5, $0x0  }
0x1f: {  	s9 =	smul.u32 $0xF7A, s1;
	s8 =	simm.s32 @!p0 $0x1BF5;
	p2 =	por !p2, p0  }
0x20: {  	[sflag:s8] =	ssyncset.s32 @!p0 $0xFFFFF086;
	s6 =	sadd.s32 @!p0 s3, s7;
	s7 =	simm.s32 @!p0 $0x108  }
0x21: {  	s3 =	sadd.s32 s3, s9;
	s6 =	sadd.s32 @!p0 $0x88, s6;
	s7 =	simm.s32 @p2 $0x1082  }
0x22: {  	[simem:s7], [sflag:s8] =	dma.local @!p0 [hbm:s6], $0xF7A  }
0x23: {  	s9 =	sor.u32 $0xD0000000, s2;
	s6 =	simm.s32 $0x108;
	_ =	swait.ge @!p0 [sflag:s8], $0x0  }
0x24: {  	s3 =	sadd.s32 $0x88, s3;
	s6 =	simm.s32 @!p1 $0x1082;
	[sflag:s4] =	ssyncset.s32 $0xFFFFF086  }
0x25: {  	[simem:s6], [sflag:s4] =	dma.local [hbm:s3], $0xF7A  }
0x26: {  	[smem:$0x3F9C] =	sst s1;
	(tag) =	ssettag s2;
	_ =	strace s9  }
0x27: {  	s1 =	sld [smem:$0x3FAC]  }
0x28: {  	s2 =	sld [smem:$0x3FAD]  }
0x29: {  	s4 =	sld [smem:$0x3FAF]  }
0x2a: {  	p0 =	seq.s32 s5, $0x0;
	s5 =	sld [smem:$0x3FB0]  }
0x2b: {  	s6 =	sld [smem:$0x3FB1]  }
0x2c: {  	s7 =	sld [smem:$0x3FB2]  }
0x2d: {  	s3 =	simm.s32 $0x108;
	s8 =	sld [smem:$0x3FB3]  }
0x2e: {  	s3 =	simm.s32 @!p0 $0x1082;
	s9 =	sld [smem:$0x3FB4]  }
0x2f: {  	lr =	sadd.s32 s0, s3;
	s0 =	sld [smem:$0x3FAB]  }
0x30: {  	s3 =	sld [smem:$0x3FAE]  }
0x31: {  	[smem:$0x3FB7] =	sst s10  }
0x32: {  	s10 =	sld [smem:$0x3FB5];
	_ =	sdelay $0x3  }
0x33: {  	p0 =	seq.s32 s10, $0x1;
	s10 =	sld [smem:$0x3FB7];
	_ =	sdelay $0x3  }
0x34: {  	[smem:$0x3FB7] =	sst s10  }
0x35: {  	s10 =	sld [smem:$0x3FB6];
	_ =	sdelay $0x3  }
0x36: {  	p1 =	seq.s32 s10, $0x1;
	s10 =	sld [smem:$0x3FB7];
	_ =	sdelay $0x3  }
0x37: {  	[smem:$0x3FB7] =	sst s10  }
0x38: {  	s10 =	sld [smem:$0x3FB8]  }
0x39: {  	_ = 	snop;
	(pc) =	sbr.ind lr, $3  }
0x3a: {  	_ = 	snop  }
0x3b: {  	_ = 	snop  }
0x3c: {  	p2 =	seq.s32 s10, $0x1;
	s10 =	sld [smem:$0x3FB7]  }
0x3d: {  	_ =	shalt  }
0x3e: {  	_ =	shalt  }
0x3f: {  	_ =	shalt  }
0x40: {  	_ =	shalt  }
0x41: {  	_ =	shalt  }
0x42: {  	_ =	shalt  }
0x43: {  	_ =	shalt  }
0x44: {  	_ =	shalt  }
0x45: {  	_ =	shalt  }
0x46: {  	_ =	shalt  }
0x47: {  	_ =	shalt  }
0x48: {  	_ =	shalt  }
0x49: {  	_ =	shalt  }
0x4a: {  	_ =	shalt  }
0x4b: {  	_ =	shalt  }
0x4c: {  	_ =	shalt  }
0x4d: {  	_ =	shalt  }
0x4e: {  	_ =	shalt  }
0x4f: {  	_ =	shalt  }
0x50: {  	_ =	shalt  }
0x51: {  	_ =	shalt  }
0x52: {  	_ =	shalt  }
0x53: {  	_ =	shalt  }
0x54: {  	_ =	shalt  }
0x55: {  	_ =	shalt  }
0x56: {  	_ =	shalt  }
0x57: {  	_ =	shalt  }
0x58: {  	_ =	shalt  }
0x59: {  	_ =	shalt  }
0x5a: {  	_ =	shalt  }
0x5b: {  	_ =	shalt  }
0x5c: {  	_ =	shalt  }
0x5d: {  	_ =	shalt  }
0x5e: {  	_ =	shalt  }
0x5f: {  	_ =	shalt  }
0x60: {  	_ =	shalt  }
0x61: {  	_ =	shalt  }
0x62: {  	_ =	shalt  }
0x63: {  	_ =	shalt  }
0x64: {  	_ =	shalt  }
0x65: {  	_ =	shalt  }
0x66: {  	_ =	shalt  }
0x67: {  	_ =	shalt  }
0x68: {  	_ =	shalt  }
0x69: {  	_ =	shalt  }
0x6a: {  	_ =	shalt  }
0x6b: {  	_ =	shalt  }
0x6c: {  	_ =	shalt  }
0x6d: {  	_ =	shalt  }
0x6e: {  	_ =	shalt  }
0x6f: {  	_ =	shalt  }
0x70: {  	_ =	shalt  }
0x71: {  	_ =	shalt  }
0x72: {  	_ =	shalt  }
0x73: {  	_ =	shalt  }
0x74: {  	_ =	shalt  }
0x75: {  	_ =	shalt  }
0x76: {  	_ =	shalt  }
0x77: {  	_ =	shalt  }
0x78: {  	_ =	shalt  }
0x79: {  	_ =	shalt  }
0x7a: {  	_ =	shalt  }
0x7b: {  	_ =	shalt  }
0x7c: {  	_ =	shalt  }
0x7d: {  	_ =	shalt  }
0x7e: {  	_ =	shalt  }
0x7f: {  	_ =	shalt  }
0x80: {  	_ =	shalt  }
0x81: {  	_ =	shalt  }
0x82: {  	_ =	shalt  }
0x83: {  	_ =	shalt  }
0x84: {  	_ =	shalt  }
0x85: {  	_ =	shalt  }
0x86: {  	_ =	shalt  }
0x87: {  	_ =	shalt  }
.Lfunc_end0:
.L_simem_size_0:
called_computation_lowered:
.L_overlay_start_0:
0x88: {  	s2 =	sld [smem:$0x3FD9]  }
0x89: {  	s3 =	sld [smem:$0x3FFE];
	_ =	sdelay $0x1  }
0x8a: {  	s1 =	srdreg.scid  }
0x8b: {  	s0 =	sand.u32 $0x1, s1  }
0x8c: {  	s17 =	sshll.u32 s0, $0xA;
	s2 =	sadd.s32 s3, s2  }
0x8d: {  	s2 =	sadd.s32 s2, s17  }
0x8e: {  	[smem:$0x3FC3] =	sst s2  }
0x8f: {  	_ = 	snop  }
0x90: {  	s2 =	sld [smem:$0x3FD0];
	(tm) =	ssettm $0x1  }
0x91: {  	s18 =	sld [smem:$0x3FFB];
	_ =	sdelay $0x3  }
0x92: {  	_ =	strace s18  }
0x93: {  	s3 =	sld [smem:$0x3FFC];
	_ =	sdelay $0x3  }
0x94: {  	_ =	strace s3  }
0x95: {  	s3 =	sld [smem:$0x3FFD];
	_ =	sdelay $0x3  }
0x96: {  	_ =	strace s3  }
0x97: {  	_ =	strace $0x8FFFFFFF  }
0x98: {  	s19 =	sld [smem:$0x3FDB];
	_ =	sdelay $0x1  }
0x99: {  	s4 =	simm.s32 $_scs_section_size  }
0x9a: {  	s5 =	simm.s32 $_size__tile_overlayer_lowered;
	s6 =	simm.s32 $_tile_overlayer_lowered  }
0x9b: {  	s22 =	simm.s32 $0x1BFF;
	s21 =	sshll.u32 s6, $0x1;
	s3 =	sadd.s32 s4, s19  }
0x9c: {  	s7 =	simm.s32 $0x0;
	s20 =	sshll.u32 s5, $0x1;
	s5 =	sadd.s32 s21, s3  }
0x9d: {  	[timem:s7], [sflag:s22] =	dma.local [hbm:s5], s20  }
0x9e: {  	_ =	swait.ge [sflag:s22], s20  }
0x9f: {  	s4 =	ssub.s32 $0x0, s20;
	[sflag:s22] =	ssyncset.done $0x0  }
0xa0: {  	[sflag:s22] =	ssyncadd.s32 s4;
	_ =	sdelay $0x1  }
0xa1: {  	s23 =	simm.s32 $0x1B8B  }
0xa2: {  	_ =	swait.ge [sflag:s23], $0x1  }
0xa3: {  	[sflag:s23] =	ssyncset.done $0x0  }
0xa4: {  	s25 =	simm.s32 $0x1B8E;
	s24 =	sld [smem:$0x3FFE];
	[sflag:s23] =	ssyncadd.s32 $0xFFFFFFFF  }
0xa5: {  	s26 =	simm.s32 $execute0_lowered;
	[smem:$0x3FD2] =	sst s25  }
0xa6: {  	s5 =	sshll.u32 s26, $0x1;
	_ =	strace $0x80000046;
	[dreg:$0x1] =	wrdreg $0xFFFFFFFF  }
0xa7: {  	s28 =	simm.s32 $_size_execute0_lowered;
	s3 =	sadd.s32 s3, s5;
	[dreg:$0x0] =	wrdreg $0x0  }
0xa8: {  	s5 =	sshll.u32 s28, $0x1;
	[dreg:$0x2] =	wrdreg s3  }
0xa9: {  	[dreg:$0x3] =	wrdreg s5  }
0xaa: {  	[dreg:$0x4] =	wrdreg $0xC0  }
0xab: {  	_ =	task [dreg:s7], $0x5FFFF  }
0xac: {  	[dreg:$0x1] =	wrdreg $0xFFFFFFFF  }
0xad: {  	[dreg:$0x0] =	wrdreg $0x60  }
0xae: {  	[dreg:$0x2] =	wrdreg s2  }
0xaf: {  	[dreg:$0x3] =	wrdreg s24  }
0xb0: {  	[dreg:$0x4] =	wrdreg $0x0  }
0xb1: {  	[dreg:$0x5] =	wrdreg $0x9  }
0xb2: {  	_ =	task.clear_ibuf [dreg:s7], $0x6FFFF;
	_ =	strace $0x90000046  }
0xb3: {  	s29 =	simm.s32 $0x9;
	_ =	strace $0x80000048  }
0xb4: {  	_ =	swait.ge [sflag:s29], $0x1  }
0xb5: {  	[sflag:s29] =	ssyncadd.s32 $0xFFFFFFFF  }
0xb6: {  	_ =	strace $0x90000048  }
0xb7: {  	_ =	sfence  }
0xb8: {  	s30 =	sld [smem:$0x0];
	_ =	sdelay $0x2  }
0xb9: {  	s31 =	sshll.u32 s1, $0xD;
	s1 =	sshrl.u32 s1, $0x2  }
0xba: {  	s3 =	sand.u32 $0x4000, s31;
	s1 =	sadd.s32 s1, s30  }
0xbb: {  	s0 =	sor.u32 s3, s0;
	s1 =	sshll.u32 s1, $0x11  }
0xbc: {  	s0 =	sor.u32 s1, s0  }
0xbd: {  	s0 =	sadd.s32 $0x8F2B, s0  }
0xbe: {  	[sflag:s0] =	ssyncadd.remote.s32 $0x1  }
0xbf: {  	_ =	sfence.sel $0xFFFF  }
0xc0: {  	[dreg:$0x0] =	wrdreg $0xFFFFFFFF;
	(pc) =	sbr.abs _section_cstart, $3  }
0xc1: {  	[dreg:$0x1] =	wrdreg $0xFFFFFFFF  }
0xc2: {  	_ =	task.clear_ibuf [dreg:s7], $0x2FFFF;
	_ =	strace $0x9FFFFFFF  }
0xc3: {  	(tm) =	ssettm $0x7FFFFFFF  }
tec
execute0_lowered:
.L_overlay_start_1:
0x0: {  	(tag) =	ssettag $0x1  }
0x1: {  	s1 =	rddreg [dreg:$0x0]  }
0x2: {  	s9 =	rddreg [dreg:$0x1]  }
0x3: {  	s2 =	rddreg [dreg:$0x2]  }
0x4: {  	s3 =	srdreg.scid;
	s0 =	rddreg [dreg:$0x3]  }
0x5: {  	s4 =	simm.s32 $0x0;
	s15 =	simm.s32 $0xA0;
	s16 =	simm.s32 $0x1E300  }
0x6: {  	s17 =	simm.s32 $0x19300;
	s18 =	simm.s32 $0x14000;
	s19 =	simm.s32 $0x14100  }
0x7: {  	s20 =	simm.s32 $0x14200;
	s21 =	simm.s32 $0x2;
	s22 =	simm.s32 $0x14300  }
0x8: {  	s23 =	simm.s32 $0x1;
	s24 =	simm.s32 $0x3;
	s10 =	sand.u32 $0x1, s3  }
0x9: {  	s3 =	stileid.u32;
	[smem:$0x7FF] =	sst s4;
	s5 =	sadd.s32 $0x14C00, s9  }
0xa: {  	s6 =	sadd.s32 $0xAC00, s9;
	s7 =	sadd.s32 $0xC00, s9;
	s8 =	smul.u32 $0x140000, s10  }
0xb: {  	s11 =	smul.u32 $0x14000, s3;
	_ =	strace $0x80000047;
	s29 =	ssub.s32 $0x2, s10  }
0xc: {  	s14 =	smul.u32 $0x50000, s3;
	s31 =	sshll.u32 s3, $0x6;
	s10 =	sshll.u32 s10, $0x4  }
0xd: {  	s13 =	sshrl.u32 s29, $0x1;
	s10 =	sor.u32 s3, s10;
	s8 =	sadd.s32 s11, s8  }
0xe: {  	s13 =	ssub.s32 s29, s13;
	s30 =	sshrl.u32 s14, $0x2;
	s12 =	sshrl.u32 s8, $0x3  }
0xf: {  	s10 =	smul.u32 $0x2800, s10;
	s8 =	sadd.s32 $0x1EC00, s9;
	s12 =	sadd.s32 s12, s9  }
0x10: {  	s14 =	sadd.s32 s30, s2;
	s9 =	sor.u32 $0x1C04, s31;
	s11 =	sadd.s32 $0x21400, s12  }
0x11: {  	v0 =	vimm.f32 $0.0e+00;
	v1 =	vimm.s32 $0x0;
	s12 =	smax.u32 s13, $0x1;
	s13 =	sshrl.u32 s14, $0x3;
	s14 =	simm.s32 $0x4  }
.LBB2_1:
0x12: {  	[spmem:s13], [sflag:s9] =	dma.local [hbm:s8], $0x2800  }
0x13: {  	_ =	swait.ge [sflag:s14], $0x2800  }
0x14: {  	[sflag:s14] =	ssyncset.done $0x0  }
0x15: {  	s25 =	simm.s32 $0x0;
	s26 =	simm.s32 $0x200;
	[sflag:s14] =	ssyncadd.s32 $0xFFFFD800  }
.LBB2_2:
0x16: {  	p0 =	sne.s32 s26, $0x13E00;
	[tilespmem:s25+$0x19370] =	vst v0  }
0x17: {  	[tilespmem:s25+$0x19300] =	vst v0  }
0x18: {  	[tilespmem:s25+$0x19310] =	vst v0  }
.Ltmp0:
0x19: {  	[tilespmem:s25+$0x19320] =	vst v0;
	(pc) =	sbr.rel @p0 .LBB2_2-.Ltmp0, $4  }
0x1a: {  	[tilespmem:s25+$0x19330] =	vst v0  }
0x1b: {  	[tilespmem:s25+$0x19340] =	vst v0  }
0x1c: {  	[tilespmem:s25+$0x19350] =	vst v0  }
0x1d: {  	[tilespmem:s25+$0x19360] =	vst v0;
	s25 =	sshra.s32 s26, $0x2;
	s26 =	sadd.s32 $0x200, s26  }
0x1e: {  	[tilespmem:s25+$0x19370] =	vst v0  }
0x1f: {  	[tilespmem:s25+$0x19300] =	vst v0  }
0x20: {  	[tilespmem:s25+$0x19310] =	vst v0  }
0x21: {  	[tilespmem:s25+$0x19320] =	vst v0  }
0x22: {  	[tilespmem:s25+$0x19330] =	vst v0  }
0x23: {  	[tilespmem:s25+$0x19340] =	vst v0  }
0x24: {  	[tilespmem:s25+$0x19350] =	vst v0  }
0x25: {  	[tilespmem:s25+$0x19360] =	vst v0  }
0x26: {  	[tilespmem:$0x1E300] =	vst v1  }
0x27: {  	[tilespmem:$0x1E310] =	vst v1  }
0x28: {  	[tilespmem:$0x1E320] =	vst v1  }
0x29: {  	[tilespmem:$0x1E330] =	vst v1  }
0x2a: {  	[tilespmem:$0x1E340] =	vst v1  }
0x2b: {  	[tilespmem:$0x1E350] =	vst v1  }
0x2c: {  	[tilespmem:$0x1E360] =	vst v1  }
0x2d: {  	[tilespmem:$0x1E370] =	vst v1  }
0x2e: {  	[tilespmem:$0x1E380] =	vst v1  }
0x2f: {  	[tilespmem:$0x1E390] =	vst v1  }
0x30: {  	s25 =	simm.s32 $0x0;
	s26 =	simm.s32 $0x0;
	[bflag:$0x0] =	sbarrier.arrive $0xFFFF  }
0x31: {  	[spmem:s2] =	stream.indirect.scatter.add.f32 [tilespmem:s17], [sflag:$0x3], $0x80, s16, s15, $0xb8;
	[tilespmem:$0x1E400] =	vst v63  }
.LBB2_4:
0x32: {  	s28 =	smul.u32 $0xA0, s26;
	_ =	sdelay $0x1  }
0x33: {  	s28 =	sadd.s32 s10, s28  }
0x34: {  	s28 =	sshrl.u32 s28, $0x3  }
0x35: {  	s29 =	sadd.s32 s5, s28  }
0x36: {  	[tilespmem:s18], [sflag:$0x2] =	stream.linear.gather [hbm4b:s29+s25], $0xA0, $0x38;
	[tilespmem:$0x1E400] =	vst v63  }
0x37: {  	s29 =	sadd.s32 s6, s28  }
0x38: {  	[tilespmem:s19], [sflag:$0x2] =	stream.linear.gather [hbm4b:s29+s25], $0xA0, $0x38;
	[tilespmem:$0x1E400] =	vst v63  }
0x39: {  	s28 =	sadd.s32 s7, s28  }
0x3a: {  	[tilespmem:s20], [sflag:$0x2] =	stream.linear.gather [hbm4b:s28+s25], $0xA0, $0x38;
	[tilespmem:$0x1E400] =	vst v63  }
0x3b: {  	_ =	swait.ge [sflag:s21], $0xA0  }
0x3c: {  	[sflag:s21] =	ssyncset.done $0x0  }
0x3d: {  	[sflag:s21] =	ssyncadd.s32 $0xFFFFFF60  }
0x3e: {  	_ =	swait.ge [sflag:s21], $0xA0  }
0x3f: {  	[sflag:s21] =	ssyncset.done $0x0  }
0x40: {  	[sflag:s21] =	ssyncadd.s32 $0xFFFFFF60  }
0x41: {  	_ =	swait.ge [sflag:s21], $0xA0  }
0x42: {  	[sflag:s21] =	ssyncset.done $0x0  }
0x43: {  	[sflag:s21] =	ssyncadd.s32 $0xFFFFFF60  }
0x44: {  	[tilespmem:s22], [sflag:$0x1] =	stream.indirect.gather [hbm4b:s1+s15], $0x80, s18, s15, $0xb8;
	[tilespmem:$0x1E400] =	vst v63  }
0x45: {  	_ =	swait.ge [sflag:s23], $0x5000  }
0x46: {  	v2 =	vmov s25;
	[sflag:s23] =	ssyncset.done $0x0  }
0x47: {  	[sflag:s23] =	ssyncadd.s32 $0xFFFFB000  }
0x48: {  	_ =	swait.ge [sflag:s24], $0x5000  }
0x49: {  	[sflag:s24] =	ssyncset.done $0x0  }
0x4a: {  	[sflag:s24] =	ssyncadd.s32 $0xFFFFB000  }
0x4b: {  	s28 =	simm.s32 $0x14340;
	v2 =	vld.idx.msk [tilespmem:v2+s20+$0x0], $0xffff  }
0x4c: {  	v3 =	vld [tilespmem:s28+$0xFFFFFFC0];
	_ =	sdelay $0x4  }
0x4d: {  	v3 =	vmul.f32 v3, v2  }
0x4e: {  	s29 =	simm.s32 $0x19340  }
0x4f: {  	[tilespmem:s29+$0xFFFFFFC0] =	vst v3  }
0x50: {  	v3 =	vld [tilespmem:s28+$0xFFFFFFD0];
	_ =	sdelay $0x4  }
0x51: {  	v3 =	vmul.f32 v3, v2;
	_ =	sdelay $0x1  }
0x52: {  	[tilespmem:s29+$0xFFFFFFD0] =	vst v3  }
0x53: {  	v3 =	vld [tilespmem:s28+$0xFFFFFFE0];
	_ =	sdelay $0x4  }
0x54: {  	v3 =	vmul.f32 v3, v2;
	_ =	sdelay $0x1  }
0x55: {  	[tilespmem:s29+$0xFFFFFFE0] =	vst v3  }
0x56: {  	v3 =	vld [tilespmem:s28+$0xFFFFFFF0];
	_ =	sdelay $0x4  }
0x57: {  	v3 =	vmul.f32 v3, v2;
	_ =	sdelay $0x1  }
0x58: {  	[tilespmem:s29+$0xFFFFFFF0] =	vst v3  }
0x59: {  	v3 =	vld [tilespmem:s28+$0x0];
	_ =	sdelay $0x4  }
0x5a: {  	v3 =	vmul.f32 v3, v2;
	_ =	sdelay $0x1  }
0x5b: {  	[tilespmem:s29+$0x0] =	vst v3  }
0x5c: {  	v3 =	vld [tilespmem:s28+$0x10];
	_ =	sdelay $0x4  }
0x5d: {  	v3 =	vmul.f32 v3, v2;
	_ =	sdelay $0x1  }
0x5e: {  	[tilespmem:s29+$0x10] =	vst v3  }
0x5f: {  	v3 =	vld [tilespmem:s28+$0x20];
	_ =	sdelay $0x4  }
0x60: {  	v3 =	vmul.f32 v3, v2;
	_ =	sdelay $0x1  }
0x61: {  	[tilespmem:s29+$0x20] =	vst v3  }
0x62: {  	v4 =	vld [tilespmem:s28+$0x30];
	_ =	sdelay $0x1  }
0x63: {  	s30 =	simm.s32 $0x1  }
0x64: {  	v3 =	vmov s30;
	s30 =	simm.s32 $0x2  }
.LBB2_5:
0x65: {  	p0 =	sne.s32 s30, $0x9F  }
0x66: {  	v2 =	vmul.f32 v4, v2;
	_ =	sdelay $0x1  }
0x67: {  	[tilespmem:s29+$0x30] =	vst v2  }
0x68: {  	s28 =	sadd.s32 $0x80, s28;
	v2 =	vld.idx.msk [tilespmem:v3+s20+$0x0], $0xffff  }
0x69: {  	v3 =	vld [tilespmem:s28+$0xFFFFFFC0];
	_ =	sdelay $0x4  }
0x6a: {  	v3 =	vmul.f32 v3, v2  }
0x6b: {  	s29 =	sadd.s32 $0x80, s29  }
0x6c: {  	[tilespmem:s29+$0xFFFFFFC0] =	vst v3  }
0x6d: {  	v3 =	vld [tilespmem:s28+$0xFFFFFFD0];
	_ =	sdelay $0x4  }
0x6e: {  	v3 =	vmul.f32 v3, v2;
	_ =	sdelay $0x1  }
0x6f: {  	[tilespmem:s29+$0xFFFFFFD0] =	vst v3  }
0x70: {  	v3 =	vld [tilespmem:s28+$0xFFFFFFE0];
	_ =	sdelay $0x4  }
0x71: {  	v3 =	vmul.f32 v3, v2;
	_ =	sdelay $0x1  }
0x72: {  	[tilespmem:s29+$0xFFFFFFE0] =	vst v3  }
0x73: {  	v3 =	vld [tilespmem:s28+$0xFFFFFFF0];
	_ =	sdelay $0x4  }
0x74: {  	v3 =	vmul.f32 v3, v2;
	_ =	sdelay $0x1  }
0x75: {  	[tilespmem:s29+$0xFFFFFFF0] =	vst v3  }
0x76: {  	v3 =	vld [tilespmem:s28+$0x0];
	_ =	sdelay $0x4  }
0x77: {  	v3 =	vmul.f32 v3, v2;
	_ =	sdelay $0x1  }
0x78: {  	[tilespmem:s29+$0x0] =	vst v3  }
0x79: {  	v3 =	vld [tilespmem:s28+$0x10];
	_ =	sdelay $0x4  }
0x7a: {  	v3 =	vmul.f32 v3, v2;
	_ =	sdelay $0x1  }
0x7b: {  	[tilespmem:s29+$0x10] =	vst v3  }
0x7c: {  	v3 =	vld [tilespmem:s28+$0x20];
	_ =	sdelay $0x4  }
0x7d: {  	v3 =	vmul.f32 v3, v2;
	_ =	sdelay $0x1  }
.Ltmp1:
0x7e: {  	[tilespmem:s29+$0x20] =	vst v3;
	(pc) =	sbr.rel @p0 .LBB2_5-.Ltmp1, $2  }
0x7f: {  	v4 =	vld [tilespmem:s28+$0x30];
	_ =	sdelay $0x2  }
0x80: {  	v3 =	vmov s30;
	s30 =	sadd.s32 $0x1, s30  }
0x81: {  	_ = 	snop  }
0x82: {  	v2 =	vmul.f32 v4, v2;
	_ =	sdelay $0x1  }
0x83: {  	[tilespmem:s29+$0x30] =	vst v2  }
0x84: {  	s28 =	sadd.s32 $0x80, s28;
	v2 =	vld.idx.msk [tilespmem:v3+s20+$0x0], $0xffff  }
0x85: {  	v3 =	vld [tilespmem:s28+$0xFFFFFFC0];
	_ =	sdelay $0x4  }
0x86: {  	v3 =	vmul.f32 v3, v2  }
0x87: {  	s31 =	sadd.s32 $0x80, s29  }
0x88: {  	[tilespmem:s31+$0xFFFFFFC0] =	vst v3  }
0x89: {  	v3 =	vld [tilespmem:s28+$0xFFFFFFD0];
	_ =	sdelay $0x4  }
0x8a: {  	v3 =	vmul.f32 v3, v2;
	_ =	sdelay $0x1  }
0x8b: {  	[tilespmem:s31+$0xFFFFFFD0] =	vst v3  }
0x8c: {  	v3 =	vld [tilespmem:s28+$0xFFFFFFE0];
	_ =	sdelay $0x4  }
0x8d: {  	v3 =	vmul.f32 v3, v2;
	_ =	sdelay $0x1  }
0x8e: {  	[tilespmem:s31+$0xFFFFFFE0] =	vst v3  }
0x8f: {  	v3 =	vld [tilespmem:s28+$0xFFFFFFF0];
	_ =	sdelay $0x4  }
0x90: {  	v3 =	vmul.f32 v3, v2;
	_ =	sdelay $0x1  }
0x91: {  	[tilespmem:s31+$0xFFFFFFF0] =	vst v3  }
0x92: {  	v3 =	vld [tilespmem:s28+$0x0];
	_ =	sdelay $0x4  }
0x93: {  	v3 =	vmul.f32 v3, v2;
	_ =	sdelay $0x1  }
0x94: {  	[tilespmem:s31+$0x0] =	vst v3  }
0x95: {  	v3 =	vld [tilespmem:s28+$0x10];
	_ =	sdelay $0x4  }
0x96: {  	v3 =	vmul.f32 v3, v2;
	_ =	sdelay $0x1  }
0x97: {  	[tilespmem:s31+$0x10] =	vst v3  }
0x98: {  	v3 =	vld [tilespmem:s28+$0x20];
	_ =	sdelay $0x4  }
0x99: {  	v3 =	vmul.f32 v3, v2;
	_ =	sdelay $0x1  }
0x9a: {  	[tilespmem:s31+$0x20] =	vst v3  }
0x9b: {  	v3 =	vld [tilespmem:s28+$0x30];
	_ =	sdelay $0x4  }
0x9c: {  	v2 =	vmul.f32 v3, v2;
	_ =	sdelay $0x1  }
0x9d: {  	[tilespmem:s31+$0x30] =	vst v2  }
0x9e: {  	v2 =	vld [tilespmem:$0x14100]  }
0x9f: {  	v3 =	vld [tilespmem:$0x14110]  }
0xa0: {  	v60 =	vld [tilespmem:$0x14120]  }
0xa1: {  	v5 =	vld [tilespmem:$0x14130]  }
0xa2: {  	v6 =	vld [tilespmem:$0x14140]  }
0xa3: {  	v61 =	vld [tilespmem:$0x14170];
	[tilespmem:$0x1E300] =	vst v2  }
0xa4: {  	v62 =	vld [tilespmem:$0x14180];
	[tilespmem:$0x1E310] =	vst v3  }
0xa5: {  	v63 =	vld [tilespmem:$0x14190];
	[tilespmem:$0x1E320] =	vst v60  }
0xa6: {  	v2 =	vld [tilespmem:$0x14150];
	[tilespmem:$0x1E330] =	vst v5  }
0xa7: {  	s26 =	sadd.s32 $0x1, s26;
	v3 =	vld [tilespmem:$0x14160];
	[tilespmem:$0x1E340] =	vst v6  }
0xa8: {  	p0 =	sne.s32 s26, $0x40;
	[tilespmem:$0x1E370] =	vst v61  }
.Ltmp2:
0xa9: {  	[tilespmem:$0x1E380] =	vst v62;
	(pc) =	sbr.rel @p0 .LBB2_4-.Ltmp2, $4  }
0xaa: {  	[tilespmem:$0x1E390] =	vst v63  }
0xab: {  	[tilespmem:$0x1E350] =	vst v2  }
0xac: {  	[tilespmem:$0x1E360] =	vst v3  }
0xad: {  	[spmem:s2] =	stream.indirect.scatter.add.f32 [tilespmem:s17], [sflag:$0x3], $0x80, s16, s15, $0xb8;
	[tilespmem:$0x1E400] =	vst v63  }
0xae: {  	_ =	swait.ge [sflag:s24], $0x5000  }
0xaf: {  	s4 =	sadd.s32 $0x1, s4;
	[sflag:s24] =	ssyncset.done $0x0  }
0xb0: {  	p0 =	sne.s32 s4, s12;
	[sflag:s24] =	ssyncadd.s32 $0xFFFFB000  }
.Ltmp3:
0xb1: {  	[bflag:$0x0] =	sbarrier.arrive $0xFFFF;
	(pc) =	sbr.rel @p0 .LBB2_1-.Ltmp3, $4  }
0xb2: {  	[hbm:s11], [sflag:s9] =	dma.local [spmem:s13], $0x2800  }
0xb3: {  	_ =	swait.ge [sflag:s14], $0x2800  }
0xb4: {  	[sflag:s14] =	ssyncset.done $0x0  }
0xb5: {  	[sflag:s14] =	ssyncadd.s32 $0xFFFFD800  }
0xb6: {  	_ =	sfence.sel $0x180000  }
0xb7: {  	[bflag:$0x0] =	sbarrier.arrive $0xFFFF  }
0xb8: {  	p0 =	sne.s32 s3, $0x0;
	_ =	strace $0x90000047  }
0xb9: {  	s0 =	sadd.s32 @!p0 $0x100000, s0;
	[bflag:$0x2] =	sbarrier.arrive $0xFFFF  }
0xba: {  	[sflag:s0] =	ssyncadd.tile.s32 @!p0 $0x1;
	_ =	shalt  }
.Lfunc_end2:
_tile_overlayer_lowered:
.L_overlay_start_2:
0xbb: {  	(tag) =	ssettag $0x2  }
0xbc: {  	s0 =	rddreg [dreg:$0x0];
	s2 =	stileid.u32  }
0xbd: {  	s1 =	rddreg [dreg:$0x1];
	p0 =	sne.s32 s2, $0x0  }
0xbe: {  	s3 =	rddreg [dreg:$0x2];
	[bflag:$0x3] =	sbarrier.arrive $0xFFFF;
	s2 =	simm.s32 @!p0 $0x1C04  }
0xbf: {  	[timem:s3], [sflag:s2] =	dma.local @!p0 [hbm:s0], s1  }
0xc0: {  	s0 =	simm.s32 @!p0 $0x4  }
0xc1: {  	_ =	swait.ge @!p0 [sflag:s0], s1  }
0xc2: {  	s1 =	ssub.s32 @!p0 $0x0, s1;
	[sflag:s0] =	ssyncset.done @!p0 $0x0  }
0xc3: {  	[sflag:s0] =	ssyncadd.s32 @!p0 s1  }
0xc4: {  	[bflag:$0x3] =	sbarrier.arrive $0xFFFF  }
0xc5: {  	_ =	shalt  }

</sc_bundles>
